<compile_context>
chip_gen: v7x
topology: tpu7x:2x2x1
jax: 0.10.2.dev20260603
libtpu: 0.0.44.dev20260713+nightly
codegen_flags: <defaults>
</compile_context>

<pallas_src>
import functools

import jax
import jax.numpy as jnp
from jax import lax
from jax.experimental import pallas as pl
from jax.experimental.pallas import tpu as pltpu
from jax.experimental.pallas import tpu_sc as plsc

B = 16384
D = 32
NC = 2
NS = 16
L = 16
NW = NC * NS
BPW = B // NW
CH = 128
NCH = BPW // CH


def _sc_partials(u_idx, p_idx, n_idx, user_table, item_table):
    mesh = plsc.VectorSubcoreMesh(core_axis_name="c", subcore_axis_name="s")

    @functools.partial(
        pl.kernel,
        mesh=mesh,
        out_type=jax.ShapeDtypeStruct((B * L,), jnp.float32),
        compiler_params=pltpu.CompilerParams(use_tc_tiling_on_sc=False),
        scratch_types=[
            pltpu.VMEM((BPW,), jnp.int32),
            pltpu.VMEM((BPW,), jnp.int32),
            pltpu.VMEM((BPW,), jnp.int32),
            pltpu.VMEM((BPW, D), jnp.float32),
            pltpu.VMEM((BPW, D), jnp.float32),
            pltpu.VMEM((BPW, D), jnp.float32),
            pltpu.VMEM((BPW * L,), jnp.float32),
            pltpu.SemaphoreType.DMA,
        ],
    )
    def k(u_idx_hbm, p_idx_hbm, n_idx_hbm, ut_hbm, it_hbm, out_hbm,
          iu, ip, ineg, ru, rp, rn, hp, sem):
        wid = lax.axis_index("s") * NC + lax.axis_index("c")
        base = wid * BPW
        pltpu.sync_copy(u_idx_hbm.at[pl.ds(base, BPW)], iu)
        pltpu.sync_copy(p_idx_hbm.at[pl.ds(base, BPW)], ip)
        pltpu.sync_copy(n_idx_hbm.at[pl.ds(base, BPW)], ineg)

        handles = []
        for t in range(NCH):
            sl = pl.ds(t * CH, CH)
            handles.append(pltpu.async_copy(ut_hbm.at[iu.at[sl]], ru.at[sl], sem))
            handles.append(pltpu.async_copy(it_hbm.at[ip.at[sl]], rp.at[sl], sem))
            handles.append(pltpu.async_copy(it_hbm.at[ineg.at[sl]], rn.at[sl], sem))
        for h in handles:
            h.wait()

        def rowbody(i, carry):
            u0 = ru[i, pl.ds(0, L)]
            u1 = ru[i, pl.ds(L, L)]
            p0 = rp[i, pl.ds(0, L)]
            p1 = rp[i, pl.ds(L, L)]
            n0 = rn[i, pl.ds(0, L)]
            n1 = rn[i, pl.ds(L, L)]
            hp[pl.ds(i * L, L)] = u0 * (p0 - n0) + u1 * (p1 - n1)
            return carry

        lax.fori_loop(0, BPW, rowbody, 0)

        pltpu.sync_copy(hp, out_hbm.at[pl.ds(base * L, BPW * L)])

    return k(u_idx, p_idx, n_idx, user_table, item_table)


N = 1000000
TW = 16384
Q = TW // 4
NG = (N + TW - 1) // TW
NP = NG * TW


def _tc_relayout(ut_t, it_t):

    def body(u_ref, i_ref, ou_ref, oi_ref):
        x = u_ref[...]
        ou_ref[...] = jnp.concatenate(
            [x[:, a * Q:(a + 1) * Q].T for a in range(4)], axis=1)
        y = i_ref[...]
        oi_ref[...] = jnp.concatenate(
            [y[:, a * Q:(a + 1) * Q].T for a in range(4)], axis=1)

    return pl.pallas_call(
        body,
        grid=(NG,),
        in_specs=[
            pl.BlockSpec((D, TW), lambda g: (0, g)),
            pl.BlockSpec((D, TW), lambda g: (0, g)),
        ],
        out_specs=[
            pl.BlockSpec((Q, 128), lambda g: (g, 0)),
            pl.BlockSpec((Q, 128), lambda g: (g, 0)),
        ],
        out_shape=[
            jax.ShapeDtypeStruct((NG * Q, 128), jnp.float32),
            jax.ShapeDtypeStruct((NG * Q, 128), jnp.float32),
        ],
    )(ut_t, it_t)


_TW_SHIFT = TW.bit_length() - 1
_Q_SHIFT = Q.bit_length() - 1


def _packed_idx(r):
    return ((r >> _TW_SHIFT) * TW + ((r & (Q - 1)) << 2)
            + ((r >> _Q_SHIFT) & 3))


def _tc_loss(x2d):

    def body(x_ref, o_ref):
        x = x_ref[...]
        k = lax.iota(jnp.int32, 128)
        sel = (k[:, None] // L == lax.iota(jnp.int32, 8)[None, :])
        m = sel.astype(jnp.float32)
        d = jnp.dot(x, m, preferred_element_type=jnp.float32)
        sp = jnp.maximum(-d, 0.0) + jnp.log(1.0 + jnp.exp(-jnp.abs(d)))
        o_ref[0, 0] = jnp.sum(sp) * (1.0 / B)

    return pl.pallas_call(
        body,
        out_shape=jax.ShapeDtypeStruct((1, 1), jnp.float32),
        in_specs=[pl.BlockSpec(memory_space=pltpu.VMEM)],
        out_specs=pl.BlockSpec(memory_space=pltpu.SMEM),
    )(x2d)


def kernel(user_indices, pos_item_indices, neg_item_indices, user_table, item_table):
    u_idx = user_indices.astype(jnp.int32)
    p_idx = pos_item_indices.astype(jnp.int32)
    n_idx = neg_item_indices.astype(jnp.int32)
    ut_pack, it_pack = _tc_relayout(user_table.T, item_table.T)
    partials = _sc_partials(
        _packed_idx(u_idx), _packed_idx(p_idx), _packed_idx(n_idx),
        ut_pack.reshape(NP, D), it_pack.reshape(NP, D))
    loss = _tc_loss(partials.reshape(B * L // 128, 128))
    return loss[0, 0]

# --- scband reference (transcript-rebuilt; emitter-appended) ---
"""Pipeline reference for scband-laser-11338713662043 (READ-ONLY COPY).

The authoritative reference and input builder live on the scoring server;
editing this copy changes nothing except your own understanding.
"""

import jax, jax.numpy as jnp
import numpy as np

NUM_USERS = 1000000
NUM_ITEMS = 1000000
EMBED_DIM = 32
BATCH = 16384


def setup_inputs(seed: int = 0) -> dict:
    key = jax.random.key(seed)
    k1, k2, k3, k4, k5 = jax.random.split(key, 5)
    user_indices = jax.random.randint(k1, (BATCH,), 0, NUM_USERS, dtype=jnp.int64 if jax.config.jax_enable_x64 else jnp.int32)
    pos_item_indices = jax.random.randint(k2, (BATCH,), 0, NUM_ITEMS, dtype=jnp.int64 if jax.config.jax_enable_x64 else jnp.int32)
    neg_item_indices = jax.random.randint(k3, (BATCH,), 0, NUM_ITEMS, dtype=jnp.int64 if jax.config.jax_enable_x64 else jnp.int32)
    user_table = jax.random.normal(k4, (NUM_USERS, EMBED_DIM), dtype=jnp.float32) * 0.1
    item_table = jax.random.normal(k5, (NUM_ITEMS, EMBED_DIM), dtype=jnp.float32) * 0.1
    return {
        "user_indices": user_indices,
        "pos_item_indices": pos_item_indices,
        "neg_item_indices": neg_item_indices,
        "user_table": user_table,
        "item_table": item_table,
    }


def reference(user_indices, pos_item_indices, neg_item_indices, user_table, item_table):
    # Faithful translation of LASER.bpr_loss with BPRMF base (single-group aggregated
    # embeddings reduce to the raw user/item embedding tables).
    user_vec = jnp.take(user_table, user_indices, axis=0)
    pos_item_vec = jnp.take(item_table, pos_item_indices, axis=0)
    neg_item_vec = jnp.take(item_table, neg_item_indices, axis=0)
    pos_scores = jnp.sum(user_vec * pos_item_vec, axis=1)
    neg_scores = jnp.sum(user_vec * neg_item_vec, axis=1)
    cf_loss = jnp.mean(-1.0 * jax.nn.log_sigmoid(pos_scores - neg_scores))
    return cf_loss

if __name__ == "__main__":
    import jax
    _d = setup_inputs()
    print(jax.jit(kernel)(*tuple(_d.values())))

</pallas_src>

<mosaic_0001>
#map = affine_map<(d0, d1) -> (0)>
#map1 = affine_map<(d0, d1) -> (0, 0)>
module attributes {stable_mosaic.version = 14 : i64} {
  func.func @k(%arg0: i32, %arg1: i32, %arg2: memref<16384xi32, #tpu.memory_space<hbm>>, %arg3: memref<16384xi32, #tpu.memory_space<hbm>>, %arg4: memref<16384xi32, #tpu.memory_space<hbm>>, %arg5: memref<1015808x32xf32, #tpu.memory_space<hbm>>, %arg6: memref<1015808x32xf32, #tpu.memory_space<hbm>>, %arg7: memref<262144xf32, #tpu.memory_space<hbm>>, %arg8: memref<512xi32, #tpu.memory_space<vmem>>, %arg9: memref<512xi32, #tpu.memory_space<vmem>>, %arg10: memref<512xi32, #tpu.memory_space<vmem>>, %arg11: memref<512x32xf32, #tpu.memory_space<vmem>>, %arg12: memref<512x32xf32, #tpu.memory_space<vmem>>, %arg13: memref<512x32xf32, #tpu.memory_space<vmem>>, %arg14: memref<8192xf32, #tpu.memory_space<vmem>>, %arg15: memref<!tpu.dma_semaphore, #tpu.memory_space<semaphore_mem>>) attributes {dimension_semantics = [#tpu.dimension_semantics<core_parallel>, #tpu.dimension_semantics<subcore_parallel>], iteration_bounds = array<i64: 2, 16>, scalar_prefetch = 0 : i64, scratch_operands = 8 : i64, tpu.core_type = #tpu.core_type<sc_vector_subcore>, window_params = [{transform_indices = #map}, {transform_indices = #map}, {transform_indices = #map}, {transform_indices = #map1}, {transform_indices = #map1}, {transform_indices = #map}]} {
    %mul3A = arith.constant 2 : i32
    %mul3A_0 = arith.muli %arg1, %mul3A : i32
    %add3A = arith.addi %mul3A_0, %arg0 : i32
    %mul3A_1 = arith.constant 512 : i32
    %mul3A_2 = arith.muli %add3A, %mul3A_1 : i32
    "tpu.region"() ({
      %run_scoped3A = tpu.sem_alloc : memref<!tpu.dma_semaphore, #tpu.memory_space<semaphore_mem>>
      %dma_start3A_200 = tpu.memref_slice %arg2[%mul3A_2] : memref<16384xi32, #tpu.memory_space<hbm>> -> memref<512xi32, #tpu.memory_space<hbm>>
      %dma_start3A_201 = tpu.memref_slice %arg2[%mul3A_2] : memref<16384xi32, #tpu.memory_space<hbm>> -> memref<512xi32, #tpu.memory_space<hbm>>
      tpu.enqueue_dma source(%dma_start3A_201 : memref<512xi32, #tpu.memory_space<hbm>>) target(%arg8 : memref<512xi32, #tpu.memory_space<vmem>>) target_semaphore(%run_scoped3A : memref<!tpu.dma_semaphore, #tpu.memory_space<semaphore_mem>>)
      %dma_wait3A_202 = tpu.memref_slice %arg2[%mul3A_2] : memref<16384xi32, #tpu.memory_space<hbm>> -> memref<512xi32, #tpu.memory_space<hbm>>
      %dma_wait3A_203 = tpu.memref_slice %arg2[%mul3A_2] : memref<16384xi32, #tpu.memory_space<hbm>> -> memref<512xi32, #tpu.memory_space<hbm>>
      tpu.wait_dma2 semaphore(%run_scoped3A : memref<!tpu.dma_semaphore, #tpu.memory_space<semaphore_mem>>) src(%dma_wait3A_203 : memref<512xi32, #tpu.memory_space<hbm>>) dst(%arg8 : memref<512xi32, #tpu.memory_space<vmem>>)
      tpu.yield
    }) : () -> ()
    "tpu.region"() ({
      %run_scoped3A = tpu.sem_alloc : memref<!tpu.dma_semaphore, #tpu.memory_space<semaphore_mem>>
      %dma_start3A_200 = tpu.memref_slice %arg3[%mul3A_2] : memref<16384xi32, #tpu.memory_space<hbm>> -> memref<512xi32, #tpu.memory_space<hbm>>
      %dma_start3A_201 = tpu.memref_slice %arg3[%mul3A_2] : memref<16384xi32, #tpu.memory_space<hbm>> -> memref<512xi32, #tpu.memory_space<hbm>>
      tpu.enqueue_dma source(%dma_start3A_201 : memref<512xi32, #tpu.memory_space<hbm>>) target(%arg9 : memref<512xi32, #tpu.memory_space<vmem>>) target_semaphore(%run_scoped3A : memref<!tpu.dma_semaphore, #tpu.memory_space<semaphore_mem>>)
      %dma_wait3A_202 = tpu.memref_slice %arg3[%mul3A_2] : memref<16384xi32, #tpu.memory_space<hbm>> -> memref<512xi32, #tpu.memory_space<hbm>>
      %dma_wait3A_203 = tpu.memref_slice %arg3[%mul3A_2] : memref<16384xi32, #tpu.memory_space<hbm>> -> memref<512xi32, #tpu.memory_space<hbm>>
      tpu.wait_dma2 semaphore(%run_scoped3A : memref<!tpu.dma_semaphore, #tpu.memory_space<semaphore_mem>>) src(%dma_wait3A_203 : memref<512xi32, #tpu.memory_space<hbm>>) dst(%arg9 : memref<512xi32, #tpu.memory_space<vmem>>)
      tpu.yield
    }) : () -> ()
    "tpu.region"() ({
      %run_scoped3A = tpu.sem_alloc : memref<!tpu.dma_semaphore, #tpu.memory_space<semaphore_mem>>
      %dma_start3A_200 = tpu.memref_slice %arg4[%mul3A_2] : memref<16384xi32, #tpu.memory_space<hbm>> -> memref<512xi32, #tpu.memory_space<hbm>>
      %dma_start3A_201 = tpu.memref_slice %arg4[%mul3A_2] : memref<16384xi32, #tpu.memory_space<hbm>> -> memref<512xi32, #tpu.memory_space<hbm>>
      tpu.enqueue_dma source(%dma_start3A_201 : memref<512xi32, #tpu.memory_space<hbm>>) target(%arg10 : memref<512xi32, #tpu.memory_space<vmem>>) target_semaphore(%run_scoped3A : memref<!tpu.dma_semaphore, #tpu.memory_space<semaphore_mem>>)
      %dma_wait3A_202 = tpu.memref_slice %arg4[%mul3A_2] : memref<16384xi32, #tpu.memory_space<hbm>> -> memref<512xi32, #tpu.memory_space<hbm>>
      %dma_wait3A_203 = tpu.memref_slice %arg4[%mul3A_2] : memref<16384xi32, #tpu.memory_space<hbm>> -> memref<512xi32, #tpu.memory_space<hbm>>
      tpu.wait_dma2 semaphore(%run_scoped3A : memref<!tpu.dma_semaphore, #tpu.memory_space<semaphore_mem>>) src(%dma_wait3A_203 : memref<512xi32, #tpu.memory_space<hbm>>) dst(%arg10 : memref<512xi32, #tpu.memory_space<vmem>>)
      tpu.yield
    }) : () -> ()
    %dma_start3A = arith.constant 0 : i32
    %dma_start3A_3 = arith.constant 0 : i32
    %dma_start3A_4 = tpu.memref_slice %arg11[%dma_start3A, %dma_start3A_3] : memref<512x32xf32, #tpu.memory_space<vmem>> -> memref<128x32xf32, #tpu.memory_space<vmem>>
    %dma_start3A_5 = arith.constant 0 : i32
    %dma_start3A_6 = tpu.memref_slice %arg8[%dma_start3A_5] : memref<512xi32, #tpu.memory_space<vmem>> -> memref<128xi32, #tpu.memory_space<vmem>>
    %dma_start3A_7 = arith.constant 0 : i32
    %dma_start3A_8 = arith.constant 0 : i32
    %dma_start3A_9 = tpu.memref_slice %arg5[%dma_start3A_7, %dma_start3A_8] : memref<1015808x32xf32, #tpu.memory_space<hbm>> -> memref<1015808x32xf32, #tpu.memory_space<hbm>>
    tpu.enqueue_indirect_dma source(%dma_start3A_9 : memref<1015808x32xf32, #tpu.memory_space<hbm>>) target(%dma_start3A_4 : memref<128x32xf32, #tpu.memory_space<vmem>>) offsets(%dma_start3A_6 : memref<128xi32, #tpu.memory_space<vmem>>) semaphore(%arg15 : memref<!tpu.dma_semaphore, #tpu.memory_space<semaphore_mem>>)
    %dma_start3A_10 = arith.constant 0 : i32
    %dma_start3A_11 = arith.constant 0 : i32
    %dma_start3A_12 = tpu.memref_slice %arg12[%dma_start3A_10, %dma_start3A_11] : memref<512x32xf32, #tpu.memory_space<vmem>> -> memref<128x32xf32, #tpu.memory_space<vmem>>
    %dma_start3A_13 = arith.constant 0 : i32
    %dma_start3A_14 = tpu.memref_slice %arg9[%dma_start3A_13] : memref<512xi32, #tpu.memory_space<vmem>> -> memref<128xi32, #tpu.memory_space<vmem>>
    %dma_start3A_15 = arith.constant 0 : i32
    %dma_start3A_16 = arith.constant 0 : i32
    %dma_start3A_17 = tpu.memref_slice %arg6[%dma_start3A_15, %dma_start3A_16] : memref<1015808x32xf32, #tpu.memory_space<hbm>> -> memref<1015808x32xf32, #tpu.memory_space<hbm>>
    tpu.enqueue_indirect_dma source(%dma_start3A_17 : memref<1015808x32xf32, #tpu.memory_space<hbm>>) target(%dma_start3A_12 : memref<128x32xf32, #tpu.memory_space<vmem>>) offsets(%dma_start3A_14 : memref<128xi32, #tpu.memory_space<vmem>>) semaphore(%arg15 : memref<!tpu.dma_semaphore, #tpu.memory_space<semaphore_mem>>)
    %dma_start3A_18 = arith.constant 0 : i32
    %dma_start3A_19 = arith.constant 0 : i32
    %dma_start3A_20 = tpu.memref_slice %arg13[%dma_start3A_18, %dma_start3A_19] : memref<512x32xf32, #tpu.memory_space<vmem>> -> memref<128x32xf32, #tpu.memory_space<vmem>>
    %dma_start3A_21 = arith.constant 0 : i32
    %dma_start3A_22 = tpu.memref_slice %arg10[%dma_start3A_21] : memref<512xi32, #tpu.memory_space<vmem>> -> memref<128xi32, #tpu.memory_space<vmem>>
    %dma_start3A_23 = arith.constant 0 : i32
    %dma_start3A_24 = arith.constant 0 : i32
    %dma_start3A_25 = tpu.memref_slice %arg6[%dma_start3A_23, %dma_start3A_24] : memref<1015808x32xf32, #tpu.memory_space<hbm>> -> memref<1015808x32xf32, #tpu.memory_space<hbm>>
    tpu.enqueue_indirect_dma source(%dma_start3A_25 : memref<1015808x32xf32, #tpu.memory_space<hbm>>) target(%dma_start3A_20 : memref<128x32xf32, #tpu.memory_space<vmem>>) offsets(%dma_start3A_22 : memref<128xi32, #tpu.memory_space<vmem>>) semaphore(%arg15 : memref<!tpu.dma_semaphore, #tpu.memory_space<semaphore_mem>>)
    %dma_start3A_26 = arith.constant 128 : i32
    %dma_start3A_27 = arith.constant 0 : i32
    %dma_start3A_28 = tpu.memref_slice %arg11[%dma_start3A_26, %dma_start3A_27] : memref<512x32xf32, #tpu.memory_space<vmem>> -> memref<128x32xf32, #tpu.memory_space<vmem>>
    %dma_start3A_29 = arith.constant 128 : i32
    %dma_start3A_30 = tpu.memref_slice %arg8[%dma_start3A_29] : memref<512xi32, #tpu.memory_space<vmem>> -> memref<128xi32, #tpu.memory_space<vmem>>
    %dma_start3A_31 = arith.constant 0 : i32
    %dma_start3A_32 = arith.constant 0 : i32
    %dma_start3A_33 = tpu.memref_slice %arg5[%dma_start3A_31, %dma_start3A_32] : memref<1015808x32xf32, #tpu.memory_space<hbm>> -> memref<1015808x32xf32, #tpu.memory_space<hbm>>
    tpu.enqueue_indirect_dma source(%dma_start3A_33 : memref<1015808x32xf32, #tpu.memory_space<hbm>>) target(%dma_start3A_28 : memref<128x32xf32, #tpu.memory_space<vmem>>) offsets(%dma_start3A_30 : memref<128xi32, #tpu.memory_space<vmem>>) semaphore(%arg15 : memref<!tpu.dma_semaphore, #tpu.memory_space<semaphore_mem>>)
    %dma_start3A_34 = arith.constant 128 : i32
    %dma_start3A_35 = arith.constant 0 : i32
    %dma_start3A_36 = tpu.memref_slice %arg12[%dma_start3A_34, %dma_start3A_35] : memref<512x32xf32, #tpu.memory_space<vmem>> -> memref<128x32xf32, #tpu.memory_space<vmem>>
    %dma_start3A_37 = arith.constant 128 : i32
    %dma_start3A_38 = tpu.memref_slice %arg9[%dma_start3A_37] : memref<512xi32, #tpu.memory_space<vmem>> -> memref<128xi32, #tpu.memory_space<vmem>>
    %dma_start3A_39 = arith.constant 0 : i32
    %dma_start3A_40 = arith.constant 0 : i32
    %dma_start3A_41 = tpu.memref_slice %arg6[%dma_start3A_39, %dma_start3A_40] : memref<1015808x32xf32, #tpu.memory_space<hbm>> -> memref<1015808x32xf32, #tpu.memory_space<hbm>>
    tpu.enqueue_indirect_dma source(%dma_start3A_41 : memref<1015808x32xf32, #tpu.memory_space<hbm>>) target(%dma_start3A_36 : memref<128x32xf32, #tpu.memory_space<vmem>>) offsets(%dma_start3A_38 : memref<128xi32, #tpu.memory_space<vmem>>) semaphore(%arg15 : memref<!tpu.dma_semaphore, #tpu.memory_space<semaphore_mem>>)
    %dma_start3A_42 = arith.constant 128 : i32
    %dma_start3A_43 = arith.constant 0 : i32
    %dma_start3A_44 = tpu.memref_slice %arg13[%dma_start3A_42, %dma_start3A_43] : memref<512x32xf32, #tpu.memory_space<vmem>> -> memref<128x32xf32, #tpu.memory_space<vmem>>
    %dma_start3A_45 = arith.constant 128 : i32
    %dma_start3A_46 = tpu.memref_slice %arg10[%dma_start3A_45] : memref<512xi32, #tpu.memory_space<vmem>> -> memref<128xi32, #tpu.memory_space<vmem>>
    %dma_start3A_47 = arith.constant 0 : i32
    %dma_start3A_48 = arith.constant 0 : i32
    %dma_start3A_49 = tpu.memref_slice %arg6[%dma_start3A_47, %dma_start3A_48] : memref<1015808x32xf32, #tpu.memory_space<hbm>> -> memref<1015808x32xf32, #tpu.memory_space<hbm>>
    tpu.enqueue_indirect_dma source(%dma_start3A_49 : memref<1015808x32xf32, #tpu.memory_space<hbm>>) target(%dma_start3A_44 : memref<128x32xf32, #tpu.memory_space<vmem>>) offsets(%dma_start3A_46 : memref<128xi32, #tpu.memory_space<vmem>>) semaphore(%arg15 : memref<!tpu.dma_semaphore, #tpu.memory_space<semaphore_mem>>)
    %dma_start3A_50 = arith.constant 256 : i32
    %dma_start3A_51 = arith.constant 0 : i32
    %dma_start3A_52 = tpu.memref_slice %arg11[%dma_start3A_50, %dma_start3A_51] : memref<512x32xf32, #tpu.memory_space<vmem>> -> memref<128x32xf32, #tpu.memory_space<vmem>>
    %dma_start3A_53 = arith.constant 256 : i32
    %dma_start3A_54 = tpu.memref_slice %arg8[%dma_start3A_53] : memref<512xi32, #tpu.memory_space<vmem>> -> memref<128xi32, #tpu.memory_space<vmem>>
    %dma_start3A_55 = arith.constant 0 : i32
    %dma_start3A_56 = arith.constant 0 : i32
    %dma_start3A_57 = tpu.memref_slice %arg5[%dma_start3A_55, %dma_start3A_56] : memref<1015808x32xf32, #tpu.memory_space<hbm>> -> memref<1015808x32xf32, #tpu.memory_space<hbm>>
    tpu.enqueue_indirect_dma source(%dma_start3A_57 : memref<1015808x32xf32, #tpu.memory_space<hbm>>) target(%dma_start3A_52 : memref<128x32xf32, #tpu.memory_space<vmem>>) offsets(%dma_start3A_54 : memref<128xi32, #tpu.memory_space<vmem>>) semaphore(%arg15 : memref<!tpu.dma_semaphore, #tpu.memory_space<semaphore_mem>>)
    %dma_start3A_58 = arith.constant 256 : i32
    %dma_start3A_59 = arith.constant 0 : i32
    %dma_start3A_60 = tpu.memref_slice %arg12[%dma_start3A_58, %dma_start3A_59] : memref<512x32xf32, #tpu.memory_space<vmem>> -> memref<128x32xf32, #tpu.memory_space<vmem>>
    %dma_start3A_61 = arith.constant 256 : i32
    %dma_start3A_62 = tpu.memref_slice %arg9[%dma_start3A_61] : memref<512xi32, #tpu.memory_space<vmem>> -> memref<128xi32, #tpu.memory_space<vmem>>
    %dma_start3A_63 = arith.constant 0 : i32
    %dma_start3A_64 = arith.constant 0 : i32
    %dma_start3A_65 = tpu.memref_slice %arg6[%dma_start3A_63, %dma_start3A_64] : memref<1015808x32xf32, #tpu.memory_space<hbm>> -> memref<1015808x32xf32, #tpu.memory_space<hbm>>
    tpu.enqueue_indirect_dma source(%dma_start3A_65 : memref<1015808x32xf32, #tpu.memory_space<hbm>>) target(%dma_start3A_60 : memref<128x32xf32, #tpu.memory_space<vmem>>) offsets(%dma_start3A_62 : memref<128xi32, #tpu.memory_space<vmem>>) semaphore(%arg15 : memref<!tpu.dma_semaphore, #tpu.memory_space<semaphore_mem>>)
    %dma_start3A_66 = arith.constant 256 : i32
    %dma_start3A_67 = arith.constant 0 : i32
    %dma_start3A_68 = tpu.memref_slice %arg13[%dma_start3A_66, %dma_start3A_67] : memref<512x32xf32, #tpu.memory_space<vmem>> -> memref<128x32xf32, #tpu.memory_space<vmem>>
    %dma_start3A_69 = arith.constant 256 : i32
    %dma_start3A_70 = tpu.memref_slice %arg10[%dma_start3A_69] : memref<512xi32, #tpu.memory_space<vmem>> -> memref<128xi32, #tpu.memory_space<vmem>>
    %dma_start3A_71 = arith.constant 0 : i32
    %dma_start3A_72 = arith.constant 0 : i32
    %dma_start3A_73 = tpu.memref_slice %arg6[%dma_start3A_71, %dma_start3A_72] : memref<1015808x32xf32, #tpu.memory_space<hbm>> -> memref<1015808x32xf32, #tpu.memory_space<hbm>>
    tpu.enqueue_indirect_dma source(%dma_start3A_73 : memref<1015808x32xf32, #tpu.memory_space<hbm>>) target(%dma_start3A_68 : memref<128x32xf32, #tpu.memory_space<vmem>>) offsets(%dma_start3A_70 : memref<128xi32, #tpu.memory_space<vmem>>) semaphore(%arg15 : memref<!tpu.dma_semaphore, #tpu.memory_space<semaphore_mem>>)
    %dma_start3A_74 = arith.constant 384 : i32
    %dma_start3A_75 = arith.constant 0 : i32
    %dma_start3A_76 = tpu.memref_slice %arg11[%dma_start3A_74, %dma_start3A_75] : memref<512x32xf32, #tpu.memory_space<vmem>> -> memref<128x32xf32, #tpu.memory_space<vmem>>
    %dma_start3A_77 = arith.constant 384 : i32
    %dma_start3A_78 = tpu.memref_slice %arg8[%dma_start3A_77] : memref<512xi32, #tpu.memory_space<vmem>> -> memref<128xi32, #tpu.memory_space<vmem>>
    %dma_start3A_79 = arith.constant 0 : i32
    %dma_start3A_80 = arith.constant 0 : i32
    %dma_start3A_81 = tpu.memref_slice %arg5[%dma_start3A_79, %dma_start3A_80] : memref<1015808x32xf32, #tpu.memory_space<hbm>> -> memref<1015808x32xf32, #tpu.memory_space<hbm>>
    tpu.enqueue_indirect_dma source(%dma_start3A_81 : memref<1015808x32xf32, #tpu.memory_space<hbm>>) target(%dma_start3A_76 : memref<128x32xf32, #tpu.memory_space<vmem>>) offsets(%dma_start3A_78 : memref<128xi32, #tpu.memory_space<vmem>>) semaphore(%arg15 : memref<!tpu.dma_semaphore, #tpu.memory_space<semaphore_mem>>)
    %dma_start3A_82 = arith.constant 384 : i32
    %dma_start3A_83 = arith.constant 0 : i32
    %dma_start3A_84 = tpu.memref_slice %arg12[%dma_start3A_82, %dma_start3A_83] : memref<512x32xf32, #tpu.memory_space<vmem>> -> memref<128x32xf32, #tpu.memory_space<vmem>>
    %dma_start3A_85 = arith.constant 384 : i32
    %dma_start3A_86 = tpu.memref_slice %arg9[%dma_start3A_85] : memref<512xi32, #tpu.memory_space<vmem>> -> memref<128xi32, #tpu.memory_space<vmem>>
    %dma_start3A_87 = arith.constant 0 : i32
    %dma_start3A_88 = arith.constant 0 : i32
    %dma_start3A_89 = tpu.memref_slice %arg6[%dma_start3A_87, %dma_start3A_88] : memref<1015808x32xf32, #tpu.memory_space<hbm>> -> memref<1015808x32xf32, #tpu.memory_space<hbm>>
    tpu.enqueue_indirect_dma source(%dma_start3A_89 : memref<1015808x32xf32, #tpu.memory_space<hbm>>) target(%dma_start3A_84 : memref<128x32xf32, #tpu.memory_space<vmem>>) offsets(%dma_start3A_86 : memref<128xi32, #tpu.memory_space<vmem>>) semaphore(%arg15 : memref<!tpu.dma_semaphore, #tpu.memory_space<semaphore_mem>>)
    %dma_start3A_90 = arith.constant 384 : i32
    %dma_start3A_91 = arith.constant 0 : i32
    %dma_start3A_92 = tpu.memref_slice %arg13[%dma_start3A_90, %dma_start3A_91] : memref<512x32xf32, #tpu.memory_space<vmem>> -> memref<128x32xf32, #tpu.memory_space<vmem>>
    %dma_start3A_93 = arith.constant 384 : i32
    %dma_start3A_94 = tpu.memref_slice %arg10[%dma_start3A_93] : memref<512xi32, #tpu.memory_space<vmem>> -> memref<128xi32, #tpu.memory_space<vmem>>
    %dma_start3A_95 = arith.constant 0 : i32
    %dma_start3A_96 = arith.constant 0 : i32
    %dma_start3A_97 = tpu.memref_slice %arg6[%dma_start3A_95, %dma_start3A_96] : memref<1015808x32xf32, #tpu.memory_space<hbm>> -> memref<1015808x32xf32, #tpu.memory_space<hbm>>
    tpu.enqueue_indirect_dma source(%dma_start3A_97 : memref<1015808x32xf32, #tpu.memory_space<hbm>>) target(%dma_start3A_92 : memref<128x32xf32, #tpu.memory_space<vmem>>) offsets(%dma_start3A_94 : memref<128xi32, #tpu.memory_space<vmem>>) semaphore(%arg15 : memref<!tpu.dma_semaphore, #tpu.memory_space<semaphore_mem>>)
    %dma_wait3A = arith.constant 0 : i32
    %dma_wait3A_98 = arith.constant 0 : i32
    %dma_wait3A_99 = tpu.memref_slice %arg11[%dma_wait3A, %dma_wait3A_98] : memref<512x32xf32, #tpu.memory_space<vmem>> -> memref<128x32xf32, #tpu.memory_space<vmem>>
    %dma_wait3A_100 = arith.constant 0 : i32
    %dma_wait3A_101 = tpu.memref_slice %arg8[%dma_wait3A_100] : memref<512xi32, #tpu.memory_space<vmem>> -> memref<128xi32, #tpu.memory_space<vmem>>
    %dma_wait3A_102 = arith.constant 0 : i32
    %dma_wait3A_103 = arith.constant 0 : i32
    %dma_wait3A_104 = tpu.memref_slice %arg5[%dma_wait3A_102, %dma_wait3A_103] : memref<1015808x32xf32, #tpu.memory_space<hbm>> -> memref<1015808x32xf32, #tpu.memory_space<hbm>>
    tpu.wait_indirect_dma semaphore(%arg15 : memref<!tpu.dma_semaphore, #tpu.memory_space<semaphore_mem>>) src(%dma_wait3A_104 : memref<1015808x32xf32, #tpu.memory_space<hbm>>) dst(%dma_wait3A_99 : memref<128x32xf32, #tpu.memory_space<vmem>>)
    %dma_wait3A_105 = arith.constant 0 : i32
    %dma_wait3A_106 = arith.constant 0 : i32
    %dma_wait3A_107 = tpu.memref_slice %arg12[%dma_wait3A_105, %dma_wait3A_106] : memref<512x32xf32, #tpu.memory_space<vmem>> -> memref<128x32xf32, #tpu.memory_space<vmem>>
    %dma_wait3A_108 = arith.constant 0 : i32
    %dma_wait3A_109 = tpu.memref_slice %arg9[%dma_wait3A_108] : memref<512xi32, #tpu.memory_space<vmem>> -> memref<128xi32, #tpu.memory_space<vmem>>
    %dma_wait3A_110 = arith.constant 0 : i32
    %dma_wait3A_111 = arith.constant 0 : i32
    %dma_wait3A_112 = tpu.memref_slice %arg6[%dma_wait3A_110, %dma_wait3A_111] : memref<1015808x32xf32, #tpu.memory_space<hbm>> -> memref<1015808x32xf32, #tpu.memory_space<hbm>>
    tpu.wait_indirect_dma semaphore(%arg15 : memref<!tpu.dma_semaphore, #tpu.memory_space<semaphore_mem>>) src(%dma_wait3A_112 : memref<1015808x32xf32, #tpu.memory_space<hbm>>) dst(%dma_wait3A_107 : memref<128x32xf32, #tpu.memory_space<vmem>>)
    %dma_wait3A_113 = arith.constant 0 : i32
    %dma_wait3A_114 = arith.constant 0 : i32
    %dma_wait3A_115 = tpu.memref_slice %arg13[%dma_wait3A_113, %dma_wait3A_114] : memref<512x32xf32, #tpu.memory_space<vmem>> -> memref<128x32xf32, #tpu.memory_space<vmem>>
    %dma_wait3A_116 = arith.constant 0 : i32
    %dma_wait3A_117 = tpu.memref_slice %arg10[%dma_wait3A_116] : memref<512xi32, #tpu.memory_space<vmem>> -> memref<128xi32, #tpu.memory_space<vmem>>
    %dma_wait3A_118 = arith.constant 0 : i32
    %dma_wait3A_119 = arith.constant 0 : i32
    %dma_wait3A_120 = tpu.memref_slice %arg6[%dma_wait3A_118, %dma_wait3A_119] : memref<1015808x32xf32, #tpu.memory_space<hbm>> -> memref<1015808x32xf32, #tpu.memory_space<hbm>>
    tpu.wait_indirect_dma semaphore(%arg15 : memref<!tpu.dma_semaphore, #tpu.memory_space<semaphore_mem>>) src(%dma_wait3A_120 : memref<1015808x32xf32, #tpu.memory_space<hbm>>) dst(%dma_wait3A_115 : memref<128x32xf32, #tpu.memory_space<vmem>>)
    %dma_wait3A_121 = arith.constant 128 : i32
    %dma_wait3A_122 = arith.constant 0 : i32
    %dma_wait3A_123 = tpu.memref_slice %arg11[%dma_wait3A_121, %dma_wait3A_122] : memref<512x32xf32, #tpu.memory_space<vmem>> -> memref<128x32xf32, #tpu.memory_space<vmem>>
    %dma_wait3A_124 = arith.constant 128 : i32
    %dma_wait3A_125 = tpu.memref_slice %arg8[%dma_wait3A_124] : memref<512xi32, #tpu.memory_space<vmem>> -> memref<128xi32, #tpu.memory_space<vmem>>
    %dma_wait3A_126 = arith.constant 0 : i32
    %dma_wait3A_127 = arith.constant 0 : i32
    %dma_wait3A_128 = tpu.memref_slice %arg5[%dma_wait3A_126, %dma_wait3A_127] : memref<1015808x32xf32, #tpu.memory_space<hbm>> -> memref<1015808x32xf32, #tpu.memory_space<hbm>>
    tpu.wait_indirect_dma semaphore(%arg15 : memref<!tpu.dma_semaphore, #tpu.memory_space<semaphore_mem>>) src(%dma_wait3A_128 : memref<1015808x32xf32, #tpu.memory_space<hbm>>) dst(%dma_wait3A_123 : memref<128x32xf32, #tpu.memory_space<vmem>>)
    %dma_wait3A_129 = arith.constant 128 : i32
    %dma_wait3A_130 = arith.constant 0 : i32
    %dma_wait3A_131 = tpu.memref_slice %arg12[%dma_wait3A_129, %dma_wait3A_130] : memref<512x32xf32, #tpu.memory_space<vmem>> -> memref<128x32xf32, #tpu.memory_space<vmem>>
    %dma_wait3A_132 = arith.constant 128 : i32
    %dma_wait3A_133 = tpu.memref_slice %arg9[%dma_wait3A_132] : memref<512xi32, #tpu.memory_space<vmem>> -> memref<128xi32, #tpu.memory_space<vmem>>
    %dma_wait3A_134 = arith.constant 0 : i32
    %dma_wait3A_135 = arith.constant 0 : i32
    %dma_wait3A_136 = tpu.memref_slice %arg6[%dma_wait3A_134, %dma_wait3A_135] : memref<1015808x32xf32, #tpu.memory_space<hbm>> -> memref<1015808x32xf32, #tpu.memory_space<hbm>>
    tpu.wait_indirect_dma semaphore(%arg15 : memref<!tpu.dma_semaphore, #tpu.memory_space<semaphore_mem>>) src(%dma_wait3A_136 : memref<1015808x32xf32, #tpu.memory_space<hbm>>) dst(%dma_wait3A_131 : memref<128x32xf32, #tpu.memory_space<vmem>>)
    %dma_wait3A_137 = arith.constant 128 : i32
    %dma_wait3A_138 = arith.constant 0 : i32
    %dma_wait3A_139 = tpu.memref_slice %arg13[%dma_wait3A_137, %dma_wait3A_138] : memref<512x32xf32, #tpu.memory_space<vmem>> -> memref<128x32xf32, #tpu.memory_space<vmem>>
    %dma_wait3A_140 = arith.constant 128 : i32
    %dma_wait3A_141 = tpu.memref_slice %arg10[%dma_wait3A_140] : memref<512xi32, #tpu.memory_space<vmem>> -> memref<128xi32, #tpu.memory_space<vmem>>
    %dma_wait3A_142 = arith.constant 0 : i32
    %dma_wait3A_143 = arith.constant 0 : i32
    %dma_wait3A_144 = tpu.memref_slice %arg6[%dma_wait3A_142, %dma_wait3A_143] : memref<1015808x32xf32, #tpu.memory_space<hbm>> -> memref<1015808x32xf32, #tpu.memory_space<hbm>>
    tpu.wait_indirect_dma semaphore(%arg15 : memref<!tpu.dma_semaphore, #tpu.memory_space<semaphore_mem>>) src(%dma_wait3A_144 : memref<1015808x32xf32, #tpu.memory_space<hbm>>) dst(%dma_wait3A_139 : memref<128x32xf32, #tpu.memory_space<vmem>>)
    %dma_wait3A_145 = arith.constant 256 : i32
    %dma_wait3A_146 = arith.constant 0 : i32
    %dma_wait3A_147 = tpu.memref_slice %arg11[%dma_wait3A_145, %dma_wait3A_146] : memref<512x32xf32, #tpu.memory_space<vmem>> -> memref<128x32xf32, #tpu.memory_space<vmem>>
    %dma_wait3A_148 = arith.constant 256 : i32
    %dma_wait3A_149 = tpu.memref_slice %arg8[%dma_wait3A_148] : memref<512xi32, #tpu.memory_space<vmem>> -> memref<128xi32, #tpu.memory_space<vmem>>
    %dma_wait3A_150 = arith.constant 0 : i32
    %dma_wait3A_151 = arith.constant 0 : i32
    %dma_wait3A_152 = tpu.memref_slice %arg5[%dma_wait3A_150, %dma_wait3A_151] : memref<1015808x32xf32, #tpu.memory_space<hbm>> -> memref<1015808x32xf32, #tpu.memory_space<hbm>>
    tpu.wait_indirect_dma semaphore(%arg15 : memref<!tpu.dma_semaphore, #tpu.memory_space<semaphore_mem>>) src(%dma_wait3A_152 : memref<1015808x32xf32, #tpu.memory_space<hbm>>) dst(%dma_wait3A_147 : memref<128x32xf32, #tpu.memory_space<vmem>>)
    %dma_wait3A_153 = arith.constant 256 : i32
    %dma_wait3A_154 = arith.constant 0 : i32
    %dma_wait3A_155 = tpu.memref_slice %arg12[%dma_wait3A_153, %dma_wait3A_154] : memref<512x32xf32, #tpu.memory_space<vmem>> -> memref<128x32xf32, #tpu.memory_space<vmem>>
    %dma_wait3A_156 = arith.constant 256 : i32
    %dma_wait3A_157 = tpu.memref_slice %arg9[%dma_wait3A_156] : memref<512xi32, #tpu.memory_space<vmem>> -> memref<128xi32, #tpu.memory_space<vmem>>
    %dma_wait3A_158 = arith.constant 0 : i32
    %dma_wait3A_159 = arith.constant 0 : i32
    %dma_wait3A_160 = tpu.memref_slice %arg6[%dma_wait3A_158, %dma_wait3A_159] : memref<1015808x32xf32, #tpu.memory_space<hbm>> -> memref<1015808x32xf32, #tpu.memory_space<hbm>>
    tpu.wait_indirect_dma semaphore(%arg15 : memref<!tpu.dma_semaphore, #tpu.memory_space<semaphore_mem>>) src(%dma_wait3A_160 : memref<1015808x32xf32, #tpu.memory_space<hbm>>) dst(%dma_wait3A_155 : memref<128x32xf32, #tpu.memory_space<vmem>>)
    %dma_wait3A_161 = arith.constant 256 : i32
    %dma_wait3A_162 = arith.constant 0 : i32
    %dma_wait3A_163 = tpu.memref_slice %arg13[%dma_wait3A_161, %dma_wait3A_162] : memref<512x32xf32, #tpu.memory_space<vmem>> -> memref<128x32xf32, #tpu.memory_space<vmem>>
    %dma_wait3A_164 = arith.constant 256 : i32
    %dma_wait3A_165 = tpu.memref_slice %arg10[%dma_wait3A_164] : memref<512xi32, #tpu.memory_space<vmem>> -> memref<128xi32, #tpu.memory_space<vmem>>
    %dma_wait3A_166 = arith.constant 0 : i32
    %dma_wait3A_167 = arith.constant 0 : i32
    %dma_wait3A_168 = tpu.memref_slice %arg6[%dma_wait3A_166, %dma_wait3A_167] : memref<1015808x32xf32, #tpu.memory_space<hbm>> -> memref<1015808x32xf32, #tpu.memory_space<hbm>>
    tpu.wait_indirect_dma semaphore(%arg15 : memref<!tpu.dma_semaphore, #tpu.memory_space<semaphore_mem>>) src(%dma_wait3A_168 : memref<1015808x32xf32, #tpu.memory_space<hbm>>) dst(%dma_wait3A_163 : memref<128x32xf32, #tpu.memory_space<vmem>>)
    %dma_wait3A_169 = arith.constant 384 : i32
    %dma_wait3A_170 = arith.constant 0 : i32
    %dma_wait3A_171 = tpu.memref_slice %arg11[%dma_wait3A_169, %dma_wait3A_170] : memref<512x32xf32, #tpu.memory_space<vmem>> -> memref<128x32xf32, #tpu.memory_space<vmem>>
    %dma_wait3A_172 = arith.constant 384 : i32
    %dma_wait3A_173 = tpu.memref_slice %arg8[%dma_wait3A_172] : memref<512xi32, #tpu.memory_space<vmem>> -> memref<128xi32, #tpu.memory_space<vmem>>
    %dma_wait3A_174 = arith.constant 0 : i32
    %dma_wait3A_175 = arith.constant 0 : i32
    %dma_wait3A_176 = tpu.memref_slice %arg5[%dma_wait3A_174, %dma_wait3A_175] : memref<1015808x32xf32, #tpu.memory_space<hbm>> -> memref<1015808x32xf32, #tpu.memory_space<hbm>>
    tpu.wait_indirect_dma semaphore(%arg15 : memref<!tpu.dma_semaphore, #tpu.memory_space<semaphore_mem>>) src(%dma_wait3A_176 : memref<1015808x32xf32, #tpu.memory_space<hbm>>) dst(%dma_wait3A_171 : memref<128x32xf32, #tpu.memory_space<vmem>>)
    %dma_wait3A_177 = arith.constant 384 : i32
    %dma_wait3A_178 = arith.constant 0 : i32
    %dma_wait3A_179 = tpu.memref_slice %arg12[%dma_wait3A_177, %dma_wait3A_178] : memref<512x32xf32, #tpu.memory_space<vmem>> -> memref<128x32xf32, #tpu.memory_space<vmem>>
    %dma_wait3A_180 = arith.constant 384 : i32
    %dma_wait3A_181 = tpu.memref_slice %arg9[%dma_wait3A_180] : memref<512xi32, #tpu.memory_space<vmem>> -> memref<128xi32, #tpu.memory_space<vmem>>
    %dma_wait3A_182 = arith.constant 0 : i32
    %dma_wait3A_183 = arith.constant 0 : i32
    %dma_wait3A_184 = tpu.memref_slice %arg6[%dma_wait3A_182, %dma_wait3A_183] : memref<1015808x32xf32, #tpu.memory_space<hbm>> -> memref<1015808x32xf32, #tpu.memory_space<hbm>>
    tpu.wait_indirect_dma semaphore(%arg15 : memref<!tpu.dma_semaphore, #tpu.memory_space<semaphore_mem>>) src(%dma_wait3A_184 : memref<1015808x32xf32, #tpu.memory_space<hbm>>) dst(%dma_wait3A_179 : memref<128x32xf32, #tpu.memory_space<vmem>>)
    %dma_wait3A_185 = arith.constant 384 : i32
    %dma_wait3A_186 = arith.constant 0 : i32
    %dma_wait3A_187 = tpu.memref_slice %arg13[%dma_wait3A_185, %dma_wait3A_186] : memref<512x32xf32, #tpu.memory_space<vmem>> -> memref<128x32xf32, #tpu.memory_space<vmem>>
    %dma_wait3A_188 = arith.constant 384 : i32
    %dma_wait3A_189 = tpu.memref_slice %arg10[%dma_wait3A_188] : memref<512xi32, #tpu.memory_space<vmem>> -> memref<128xi32, #tpu.memory_space<vmem>>
    %dma_wait3A_190 = arith.constant 0 : i32
    %dma_wait3A_191 = arith.constant 0 : i32
    %dma_wait3A_192 = tpu.memref_slice %arg6[%dma_wait3A_190, %dma_wait3A_191] : memref<1015808x32xf32, #tpu.memory_space<hbm>> -> memref<1015808x32xf32, #tpu.memory_space<hbm>>
    tpu.wait_indirect_dma semaphore(%arg15 : memref<!tpu.dma_semaphore, #tpu.memory_space<semaphore_mem>>) src(%dma_wait3A_192 : memref<1015808x32xf32, #tpu.memory_space<hbm>>) dst(%dma_wait3A_187 : memref<128x32xf32, #tpu.memory_space<vmem>>)
    %scan3A = arith.constant 0 : i32
    %scan3A_193 = arith.constant 0 : i32
    %scan3A_194 = arith.constant 512 : i32
    %scan3A_195 = arith.addi %scan3A_193, %scan3A_194 : i32
    %scan3A_196 = arith.constant 1 : i32
    scf.for %scan3A_200 = %scan3A_193 to %scan3A_195 step %scan3A_196  : i32 {
      %get3A = arith.index_cast %scan3A_200 : i32 to index
      %get3A_201 = arith.constant 0 : index
      %get3A_202 = tpu.vector_load %arg11[%get3A, %get3A_201] {strides = array<i32>} : memref<512x32xf32, #tpu.memory_space<vmem>>, vector<1x16xf32>,
      %get3A_203 = vector.shape_cast %get3A_202 : vector<1x16xf32> to vector<16xf32>
      %get3A_204 = arith.index_cast %scan3A_200 : i32 to index
      %get3A_205 = arith.constant 16 : index
      %get3A_206 = tpu.vector_load %arg11[%get3A_204, %get3A_205] {strides = array<i32>} : memref<512x32xf32, #tpu.memory_space<vmem>>, vector<1x16xf32>,
      %get3A_207 = vector.shape_cast %get3A_206 : vector<1x16xf32> to vector<16xf32>
      %get3A_208 = arith.index_cast %scan3A_200 : i32 to index
      %get3A_209 = arith.constant 0 : index
      %get3A_210 = tpu.vector_load %arg12[%get3A_208, %get3A_209] {strides = array<i32>} : memref<512x32xf32, #tpu.memory_space<vmem>>, vector<1x16xf32>,
      %get3A_211 = vector.shape_cast %get3A_210 : vector<1x16xf32> to vector<16xf32>
      %get3A_212 = arith.index_cast %scan3A_200 : i32 to index
      %get3A_213 = arith.constant 16 : index
      %get3A_214 = tpu.vector_load %arg12[%get3A_212, %get3A_213] {strides = array<i32>} : memref<512x32xf32, #tpu.memory_space<vmem>>, vector<1x16xf32>,
      %get3A_215 = vector.shape_cast %get3A_214 : vector<1x16xf32> to vector<16xf32>
      %get3A_216 = arith.index_cast %scan3A_200 : i32 to index
      %get3A_217 = arith.constant 0 : index
      %get3A_218 = tpu.vector_load %arg13[%get3A_216, %get3A_217] {strides = array<i32>} : memref<512x32xf32, #tpu.memory_space<vmem>>, vector<1x16xf32>,
      %get3A_219 = vector.shape_cast %get3A_218 : vector<1x16xf32> to vector<16xf32>
      %get3A_220 = arith.index_cast %scan3A_200 : i32 to index
      %get3A_221 = arith.constant 16 : index
      %get3A_222 = tpu.vector_load %arg13[%get3A_220, %get3A_221] {strides = array<i32>} : memref<512x32xf32, #tpu.memory_space<vmem>>, vector<1x16xf32>,
      %get3A_223 = vector.shape_cast %get3A_222 : vector<1x16xf32> to vector<16xf32>
      %sub3A = arith.subf %get3A_211, %get3A_219 : vector<16xf32>
      %mul3A_224 = arith.mulf %get3A_203, %sub3A : vector<16xf32>
      %sub3A_225 = arith.subf %get3A_215, %get3A_223 : vector<16xf32>
      %mul3A_226 = arith.mulf %get3A_207, %sub3A_225 : vector<16xf32>
      %add3A_227 = arith.addf %mul3A_224, %mul3A_226 : vector<16xf32>
      %mul3A_228 = arith.constant 16 : i32
      %mul3A_229 = arith.muli %scan3A_200, %mul3A_228 : i32
      %swap3A = arith.index_cast %mul3A_229 : i32 to index
      %swap3A_230 = tpu.vector_load %arg14[%swap3A] {strides = array<i32>} : memref<8192xf32, #tpu.memory_space<vmem>>, vector<16xf32>,
      %swap3A_231 = vector.shape_cast %swap3A_230 : vector<16xf32> to vector<16xf32>
      %swap3A_232 = vector.shape_cast %add3A_227 : vector<16xf32> to vector<16xf32>
      tpu.vector_store %arg14[%swap3A], %swap3A_232 {strides = array<i32>} : memref<8192xf32, #tpu.memory_space<vmem>>, vector<16xf32>,
    }
    %scan3A_197 = arith.constant 512 : i32
    %mul3A_198 = arith.constant 16 : i32
    %mul3A_199 = arith.muli %mul3A_2, %mul3A_198 : i32
    "tpu.region"() ({
      %run_scoped3A = tpu.sem_alloc : memref<!tpu.dma_semaphore, #tpu.memory_space<semaphore_mem>>
      %dma_start3A_200 = tpu.memref_slice %arg7[%mul3A_199] : memref<262144xf32, #tpu.memory_space<hbm>> -> memref<8192xf32, #tpu.memory_space<hbm>>
      %dma_start3A_201 = tpu.memref_slice %arg7[%mul3A_199] : memref<262144xf32, #tpu.memory_space<hbm>> -> memref<8192xf32, #tpu.memory_space<hbm>>
      tpu.enqueue_dma source(%arg14 : memref<8192xf32, #tpu.memory_space<vmem>>) target(%dma_start3A_201 : memref<8192xf32, #tpu.memory_space<hbm>>) target_semaphore(%run_scoped3A : memref<!tpu.dma_semaphore, #tpu.memory_space<semaphore_mem>>)
      %dma_wait3A_202 = tpu.memref_slice %arg7[%mul3A_199] : memref<262144xf32, #tpu.memory_space<hbm>> -> memref<8192xf32, #tpu.memory_space<hbm>>
      %dma_wait3A_203 = tpu.memref_slice %arg7[%mul3A_199] : memref<262144xf32, #tpu.memory_space<hbm>> -> memref<8192xf32, #tpu.memory_space<hbm>>
      tpu.wait_dma2 semaphore(%run_scoped3A : memref<!tpu.dma_semaphore, #tpu.memory_space<semaphore_mem>>) src(%arg14 : memref<8192xf32, #tpu.memory_space<vmem>>) dst(%dma_wait3A_203 : memref<8192xf32, #tpu.memory_space<hbm>>)
      tpu.yield
    }) : () -> ()
    return
  }
}

module attributes {stable_mosaic.version = 14 : i64} {
  func.func @body(%arg0: memref<2048x128xf32, #tpu.memory_space<vmem>>, %arg1: memref<1x1xf32, #tpu.memory_space<smem>>) attributes {dimension_semantics = [], scalar_prefetch = 0 : i64, scratch_operands = 0 : i64, tpu.core_type = #tpu.core_type<tc>} {
    %get3A = arith.constant 0 : index
    %get3A_0 = arith.constant 0 : index
    %get3A_1 = vector.load %arg0[%get3A, %get3A_0] : memref<2048x128xf32, #tpu.memory_space<vmem>>, vector<2048x128xf32>
    %iota3A = tpu.iota {dimensions = array<i32: 1>} : vector<1x128xi32>
    %iota3A_2 = vector.shape_cast %iota3A : vector<1x128xi32> to vector<128xi32>
    %broadcast_in_dim3A = vector.shape_cast %iota3A_2 : vector<128xi32> to vector<128x1xi32>
    %jit3A = arith.constant 16 : i32
    %div3A = vector.broadcast %jit3A : i32 to vector<128x1xi32>
    %div3A_3 = arith.divsi %broadcast_in_dim3A, %div3A : vector<128x1xi32>
    %sign3A = arith.constant 0 : i32
    %sign3A_4 = vector.broadcast %sign3A : i32 to vector<128x1xi32>
    %sign3A_5 = arith.cmpi sgt, %broadcast_in_dim3A, %sign3A_4 : vector<128x1xi32>
    %sign3A_6 = arith.extui %sign3A_5 : vector<128x1xi1> to vector<128x1xi32>
    %sign3A_7 = arith.constant 0 : i32
    %sign3A_8 = vector.broadcast %sign3A_7 : i32 to vector<128x1xi32>
    %sign3A_9 = arith.cmpi slt, %broadcast_in_dim3A, %sign3A_8 : vector<128x1xi32>
    %sign3A_10 = arith.extui %sign3A_9 : vector<128x1xi1> to vector<128x1xi32>
    %sign3A_11 = arith.subi %sign3A_6, %sign3A_10 : vector<128x1xi32>
    %sign3A_12 = arith.constant 0 : i32
    %sign3A_13 = arith.cmpi sgt, %jit3A, %sign3A_12 : i32
    %sign3A_14 = arith.extui %sign3A_13 : i1 to i32
    %sign3A_15 = arith.constant 0 : i32
    %sign3A_16 = arith.cmpi slt, %jit3A, %sign3A_15 : i32
    %sign3A_17 = arith.extui %sign3A_16 : i1 to i32
    %sign3A_18 = arith.subi %sign3A_14, %sign3A_17 : i32
    %ne3A = vector.broadcast %sign3A_18 : i32 to vector<128x1xi32>
    %ne3A_19 = arith.cmpi ne, %sign3A_11, %ne3A : vector<128x1xi32>
    %rem3A = vector.broadcast %jit3A : i32 to vector<128x1xi32>
    %rem3A_20 = arith.remsi %broadcast_in_dim3A, %rem3A : vector<128x1xi32>
    %ne3A_21 = arith.constant 0 : i32
    %ne3A_22 = vector.broadcast %ne3A_21 : i32 to vector<128x1xi32>
    %ne3A_23 = arith.cmpi ne, %rem3A_20, %ne3A_22 : vector<128x1xi32>
    %and3A = arith.andi %ne3A_19, %ne3A_23 : vector<128x1xi1>
    %sub3A = arith.constant 1 : i32
    %sub3A_24 = vector.broadcast %sub3A : i32 to vector<128x1xi32>
    %sub3A_25 = arith.subi %div3A_3, %sub3A_24 : vector<128x1xi32>
    %select_n3A = arith.select %and3A, %sub3A_25, %div3A_3 : vector<128x1xi1>, vector<128x1xi32>
    %iota3A_26 = tpu.iota {dimensions = array<i32: 1>} : vector<1x8xi32>
    %iota3A_27 = vector.shape_cast %iota3A_26 : vector<1x8xi32> to vector<8xi32>
    %broadcast_in_dim3A_28 = vector.shape_cast %iota3A_27 : vector<8xi32> to vector<1x8xi32>
    %eq3A = vector.broadcast %select_n3A : vector<128x1xi32> to vector<128x8xi32>
    %eq3A_29 = vector.broadcast %broadcast_in_dim3A_28 : vector<1x8xi32> to vector<128x8xi32>
    %eq3A_30 = arith.cmpi eq, %eq3A, %eq3A_29 : vector<128x8xi32>
    %convert_element_type3A = arith.extui %eq3A_30 : vector<128x8xi1> to vector<128x8xi32>
    %convert_element_type3A_31 = arith.sitofp %convert_element_type3A : vector<128x8xi32> to vector<128x8xf32>
    %dot_general3A = arith.constant dense<0.000000e+00> : vector<2048x8xf32>
    %dot_general3A_32 = tpu.matmul %get3A_1, %convert_element_type3A_31, %dot_general3A {dimension_numbers = #tpu.dot_dimension_numbers<[1], [0], [0], [1], [0, 0, 1, 1], [], []>, transpose_lhs_hint = false} : vector<2048x128xf32>, vector<128x8xf32>, vector<2048x8xf32> -> vector<2048x8xf32>
    %neg3A = arith.constant 0.000000e+00 : f32
    %neg3A_33 = vector.broadcast %neg3A : f32 to vector<2048x8xf32>
    %neg3A_34 = arith.subf %neg3A_33, %dot_general3A_32 : vector<2048x8xf32>
    %max3A = arith.constant 0.000000e+00 : f32
    %max3A_35 = vector.broadcast %max3A : f32 to vector<2048x8xf32>
    %max3A_36 = arith.maximumf %neg3A_34, %max3A_35 : vector<2048x8xf32>
    %abs3A = math.absf %dot_general3A_32 : vector<2048x8xf32>
    %neg3A_37 = arith.constant 0.000000e+00 : f32
    %neg3A_38 = vector.broadcast %neg3A_37 : f32 to vector<2048x8xf32>
    %neg3A_39 = arith.subf %neg3A_38, %abs3A : vector<2048x8xf32>
    %exp3A = math.exp %neg3A_39 : vector<2048x8xf32>
    %add3A = arith.constant 1.000000e+00 : f32
    %add3A_40 = vector.broadcast %add3A : f32 to vector<2048x8xf32>
    %add3A_41 = arith.addf %add3A_40, %exp3A : vector<2048x8xf32>
    %log3A = math.log %add3A_41 : vector<2048x8xf32>
    %add3A_42 = arith.addf %max3A_36, %log3A : vector<2048x8xf32>
    %reduce_sum3A = vector.shape_cast %add3A_42 : vector<2048x8xf32> to vector<1x2048x8xf32>
    %reduce_sum3A_43 = arith.constant dense<0.000000e+00> : vector<1xf32>
    %reduce_sum3A_44 = vector.multi_reduction <add>, %reduce_sum3A, %reduce_sum3A_43 [1, 2] : vector<1x2048x8xf32> to vector<1xf32>
    %reduce_sum3A_45 = vector.shape_cast %reduce_sum3A_44 : vector<1xf32> to vector<1x1x1xf32>
    %reduce_sum3A_46 = vector.extract %reduce_sum3A_45[0, 0, 0] : f32 from vector<1x1x1xf32>
    %mul3A = arith.constant 6.10351563E-5 : f32
    %mul3A_47 = arith.mulf %reduce_sum3A_46, %mul3A : f32
    %swap3A = arith.constant 0 : index
    %swap3A_48 = arith.constant 0 : index
    %swap3A_49 = memref.load %arg1[%swap3A, %swap3A_48] : memref<1x1xf32, #tpu.memory_space<smem>>
    memref.store %mul3A_47, %arg1[%swap3A, %swap3A_48] : memref<1x1xf32, #tpu.memory_space<smem>>
    return
  }
}

module attributes {stable_mosaic.version = 14 : i64} {
  func.func @body(%arg0: i32, %arg1: memref<32x16384xf32, #tpu.memory_space<vmem>>, %arg2: memref<32x16384xf32, #tpu.memory_space<vmem>>, %arg3: memref<4096x128xf32, #tpu.memory_space<vmem>>, %arg4: memref<4096x128xf32, #tpu.memory_space<vmem>>) attributes {dimension_semantics = [#tpu.dimension_semantics<arbitrary>], iteration_bounds = array<i64: 62>, scalar_prefetch = 0 : i64, scratch_operands = 0 : i64, tpu.core_type = #tpu.core_type<tc>, window_params = [{transform_indices = @transform_0, window_bounds = array<i64: 32, 16384>}, {transform_indices = @transform_1, window_bounds = array<i64: 32, 16384>}, {transform_indices = @transform_2, window_bounds = array<i64: 4096, 128>}, {transform_indices = @transform_3, window_bounds = array<i64: 4096, 128>}]} {
    %get3A = arith.constant 0 : index
    %get3A_0 = arith.constant 0 : index
    %get3A_1 = vector.load %arg1[%get3A, %get3A_0] : memref<32x16384xf32, #tpu.memory_space<vmem>>, vector<32x16384xf32>
    %slice3A = vector.extract_strided_slice %get3A_1 {offsets = [0, 0], sizes = [32, 4096], strides = [1, 1]} : vector<32x16384xf32> to vector<32x4096xf32>
    %transpose3A = tpu.transpose %slice3A, [1, 0] : vector<32x4096xf32> -> vector<4096x32xf32>
    %slice3A_2 = vector.extract_strided_slice %get3A_1 {offsets = [0, 4096], sizes = [32, 4096], strides = [1, 1]} : vector<32x16384xf32> to vector<32x4096xf32>
    %transpose3A_3 = tpu.transpose %slice3A_2, [1, 0] : vector<32x4096xf32> -> vector<4096x32xf32>
    %slice3A_4 = vector.extract_strided_slice %get3A_1 {offsets = [0, 8192], sizes = [32, 4096], strides = [1, 1]} : vector<32x16384xf32> to vector<32x4096xf32>
    %transpose3A_5 = tpu.transpose %slice3A_4, [1, 0] : vector<32x4096xf32> -> vector<4096x32xf32>
    %slice3A_6 = vector.extract_strided_slice %get3A_1 {offsets = [0, 12288], sizes = [32, 4096], strides = [1, 1]} : vector<32x16384xf32> to vector<32x4096xf32>
    %transpose3A_7 = tpu.transpose %slice3A_6, [1, 0] : vector<32x4096xf32> -> vector<4096x32xf32>
    %concatenate3A = tpu.concatenate %transpose3A, %transpose3A_3, %transpose3A_5, %transpose3A_7 in 1 : vector<4096x32xf32>, vector<4096x32xf32>, vector<4096x32xf32>, vector<4096x32xf32> -> vector<4096x128xf32>
    %swap3A = arith.constant 0 : index
    %swap3A_8 = arith.constant 0 : index
    %swap3A_9 = vector.load %arg3[%swap3A, %swap3A_8] : memref<4096x128xf32, #tpu.memory_space<vmem>>, vector<4096x128xf32>
    tpu.vector_store %arg3[%swap3A, %swap3A_8], %concatenate3A {strides = array<i32>} : memref<4096x128xf32, #tpu.memory_space<vmem>>, vector<4096x128xf32>,
    %get3A_10 = arith.constant 0 : index
    %get3A_11 = arith.constant 0 : index
    %get3A_12 = vector.load %arg2[%get3A_10, %get3A_11] : memref<32x16384xf32, #tpu.memory_space<vmem>>, vector<32x16384xf32>
    %slice3A_13 = vector.extract_strided_slice %get3A_12 {offsets = [0, 0], sizes = [32, 4096], strides = [1, 1]} : vector<32x16384xf32> to vector<32x4096xf32>
    %transpose3A_14 = tpu.transpose %slice3A_13, [1, 0] : vector<32x4096xf32> -> vector<4096x32xf32>
    %slice3A_15 = vector.extract_strided_slice %get3A_12 {offsets = [0, 4096], sizes = [32, 4096], strides = [1, 1]} : vector<32x16384xf32> to vector<32x4096xf32>
    %transpose3A_16 = tpu.transpose %slice3A_15, [1, 0] : vector<32x4096xf32> -> vector<4096x32xf32>
    %slice3A_17 = vector.extract_strided_slice %get3A_12 {offsets = [0, 8192], sizes = [32, 4096], strides = [1, 1]} : vector<32x16384xf32> to vector<32x4096xf32>
    %transpose3A_18 = tpu.transpose %slice3A_17, [1, 0] : vector<32x4096xf32> -> vector<4096x32xf32>
    %slice3A_19 = vector.extract_strided_slice %get3A_12 {offsets = [0, 12288], sizes = [32, 4096], strides = [1, 1]} : vector<32x16384xf32> to vector<32x4096xf32>
    %transpose3A_20 = tpu.transpose %slice3A_19, [1, 0] : vector<32x4096xf32> -> vector<4096x32xf32>
    %concatenate3A_21 = tpu.concatenate %transpose3A_14, %transpose3A_16, %transpose3A_18, %transpose3A_20 in 1 : vector<4096x32xf32>, vector<4096x32xf32>, vector<4096x32xf32>, vector<4096x32xf32> -> vector<4096x128xf32>
    %swap3A_22 = arith.constant 0 : index
    %swap3A_23 = arith.constant 0 : index
    %swap3A_24 = vector.load %arg4[%swap3A_22, %swap3A_23] : memref<4096x128xf32, #tpu.memory_space<vmem>>, vector<4096x128xf32>
    tpu.vector_store %arg4[%swap3A_22, %swap3A_23], %concatenate3A_21 {strides = array<i32>} : memref<4096x128xf32, #tpu.memory_space<vmem>>, vector<4096x128xf32>,
    return
  }
  func.func @transform_0(%arg0: i32) -> (i32, i32) {
    %c0_i32 = arith.constant 0 : i32
    %c0_i32_0 = arith.constant 0 : i32
    return %c0_i32, %arg0 : i32, i32
  }
  func.func @transform_1(%arg0: i32) -> (i32, i32) {
    %c0_i32 = arith.constant 0 : i32
    %c0_i32_0 = arith.constant 0 : i32
    return %c0_i32, %arg0 : i32, i32
  }
  func.func @transform_2(%arg0: i32) -> (i32, i32) {
    %c0_i32 = arith.constant 0 : i32
    %c0_i32_0 = arith.constant 0 : i32
    return %arg0, %c0_i32 : i32, i32
  }
  func.func @transform_3(%arg0: i32) -> (i32, i32) {
    %c0_i32 = arith.constant 0 : i32
    %c0_i32_0 = arith.constant 0 : i32
    return %arg0, %c0_i32 : i32, i32
  }
}

</mosaic_0001>

<sc_bundles>
// kernel: kernel.5.cloned.1.call-start
scs
__scs_entry_jumppad:
0x0: {  	(pc) =	sbr.rel $0x88, $3  }
0x1: {  	(tag) =	ssettag $0x0;
	lr =	simm.s32 $0x1  }
0x2: {  	[smem:$0x3F9C] =	sst lr;
	_ =	strace $0xD0000000  }
0x3: {  	_ = 	snop  }
0x4: {  	_ = 	snop  }
0x5: {  	_ = 	snop  }
0x6: {  	_ = 	snop  }
0x7: {  	_ = 	snop  }
__scs_overlays_trampoline_lowered:
0x8: {  	[smem:$0x3FAB] =	sst s0  }
0x9: {  	[smem:$0x3FAC] =	sst s1  }
0xa: {  	[smem:$0x3FAD] =	sst s2  }
0xb: {  	[smem:$0x3FAE] =	sst s3  }
0xc: {  	[smem:$0x3FAF] =	sst s4  }
0xd: {  	[smem:$0x3FB0] =	sst s5  }
0xe: {  	[smem:$0x3FB1] =	sst s6  }
0xf: {  	[smem:$0x3FB2] =	sst s7  }
0x10: {  	[smem:$0x3FB3] =	sst s8  }
0x11: {  	[smem:$0x3FB4] =	sst s9;
	s0 =	simm.s32 @!p0 $0x0  }
0x12: {  	s1 =	sld [smem:$0x3F9A];
	s0 =	simm.s32 @p0 $0x1  }
0x13: {  	[smem:$0x3FB5] =	sst s0;
	s0 =	simm.s32 @!p1 $0x0  }
0x14: {  	s2 =	sld [smem:$0x3F99];
	s0 =	simm.s32 @p1 $0x1  }
0x15: {  	[smem:$0x3FB6] =	sst s0;
	s0 =	simm.s32 @!p2 $0x0  }
0x16: {  	s3 =	sld [smem:$0x3FDB];
	s0 =	simm.s32 @p2 $0x1  }
0x17: {  	s4 =	simm.s32 $0x1BF5;
	[smem:$0x3FB8] =	sst s0  }
0x18: {  	s0 =	sld [smem:$0x3F9B];
	_ =	swait.ge [sflag:s4], $0x0  }
0x19: {  	s7 =	sld [smem:$0x3F9C]  }
0x1a: {  	s8 =	sadd.s32 $0xFFFFE003, lr  }
0x1b: {  	s9 =	sadd.s32 $0xFFFFFEF7, lr;
	s5 =	simm.s32 $0xFFFFFFFF;
	p2 =	slt.u32 s8, $0xFFFFF086  }
0x1c: {  	p1 =	slt.u32 s9, $0xF7A;
	s5 =	simm.s32 @!p2 $0x0  }
0x1d: {  	s5 =	simm.s32 @p1 $0x1;
	p0 =	seq.s32 s7, s2  }
0x1e: {  	s7 =	smul.u32 @!p0 $0xF7A, s2;
	p2 =	seq.s32 @!p0 s5, $0x0  }
0x1f: {  	s9 =	smul.u32 $0xF7A, s1;
	s8 =	simm.s32 @!p0 $0x1BF5;
	p2 =	por !p2, p0  }
0x20: {  	[sflag:s8] =	ssyncset.s32 @!p0 $0xFFFFF086;
	s6 =	sadd.s32 @!p0 s3, s7;
	s7 =	simm.s32 @!p0 $0x108  }
0x21: {  	s3 =	sadd.s32 s3, s9;
	s6 =	sadd.s32 @!p0 $0x88, s6;
	s7 =	simm.s32 @p2 $0x1082  }
0x22: {  	[simem:s7], [sflag:s8] =	dma.local @!p0 [hbm:s6], $0xF7A  }
0x23: {  	s9 =	sor.u32 $0xD0000000, s2;
	s6 =	simm.s32 $0x108;
	_ =	swait.ge @!p0 [sflag:s8], $0x0  }
0x24: {  	s3 =	sadd.s32 $0x88, s3;
	s6 =	simm.s32 @!p1 $0x1082;
	[sflag:s4] =	ssyncset.s32 $0xFFFFF086  }
0x25: {  	[simem:s6], [sflag:s4] =	dma.local [hbm:s3], $0xF7A  }
0x26: {  	[smem:$0x3F9C] =	sst s1;
	(tag) =	ssettag s2;
	_ =	strace s9  }
0x27: {  	s1 =	sld [smem:$0x3FAC]  }
0x28: {  	s2 =	sld [smem:$0x3FAD]  }
0x29: {  	s4 =	sld [smem:$0x3FAF]  }
0x2a: {  	p0 =	seq.s32 s5, $0x0;
	s5 =	sld [smem:$0x3FB0]  }
0x2b: {  	s6 =	sld [smem:$0x3FB1]  }
0x2c: {  	s7 =	sld [smem:$0x3FB2]  }
0x2d: {  	s3 =	simm.s32 $0x108;
	s8 =	sld [smem:$0x3FB3]  }
0x2e: {  	s3 =	simm.s32 @!p0 $0x1082;
	s9 =	sld [smem:$0x3FB4]  }
0x2f: {  	lr =	sadd.s32 s0, s3;
	s0 =	sld [smem:$0x3FAB]  }
0x30: {  	s3 =	sld [smem:$0x3FAE]  }
0x31: {  	[smem:$0x3FB7] =	sst s10  }
0x32: {  	s10 =	sld [smem:$0x3FB5];
	_ =	sdelay $0x3  }
0x33: {  	p0 =	seq.s32 s10, $0x1;
	s10 =	sld [smem:$0x3FB7];
	_ =	sdelay $0x3  }
0x34: {  	[smem:$0x3FB7] =	sst s10  }
0x35: {  	s10 =	sld [smem:$0x3FB6];
	_ =	sdelay $0x3  }
0x36: {  	p1 =	seq.s32 s10, $0x1;
	s10 =	sld [smem:$0x3FB7];
	_ =	sdelay $0x3  }
0x37: {  	[smem:$0x3FB7] =	sst s10  }
0x38: {  	s10 =	sld [smem:$0x3FB8]  }
0x39: {  	_ = 	snop;
	(pc) =	sbr.ind lr, $3  }
0x3a: {  	_ = 	snop  }
0x3b: {  	_ = 	snop  }
0x3c: {  	p2 =	seq.s32 s10, $0x1;
	s10 =	sld [smem:$0x3FB7]  }
0x3d: {  	_ =	shalt  }
0x3e: {  	_ =	shalt  }
0x3f: {  	_ =	shalt  }
0x40: {  	_ =	shalt  }
0x41: {  	_ =	shalt  }
0x42: {  	_ =	shalt  }
0x43: {  	_ =	shalt  }
0x44: {  	_ =	shalt  }
0x45: {  	_ =	shalt  }
0x46: {  	_ =	shalt  }
0x47: {  	_ =	shalt  }
0x48: {  	_ =	shalt  }
0x49: {  	_ =	shalt  }
0x4a: {  	_ =	shalt  }
0x4b: {  	_ =	shalt  }
0x4c: {  	_ =	shalt  }
0x4d: {  	_ =	shalt  }
0x4e: {  	_ =	shalt  }
0x4f: {  	_ =	shalt  }
0x50: {  	_ =	shalt  }
0x51: {  	_ =	shalt  }
0x52: {  	_ =	shalt  }
0x53: {  	_ =	shalt  }
0x54: {  	_ =	shalt  }
0x55: {  	_ =	shalt  }
0x56: {  	_ =	shalt  }
0x57: {  	_ =	shalt  }
0x58: {  	_ =	shalt  }
0x59: {  	_ =	shalt  }
0x5a: {  	_ =	shalt  }
0x5b: {  	_ =	shalt  }
0x5c: {  	_ =	shalt  }
0x5d: {  	_ =	shalt  }
0x5e: {  	_ =	shalt  }
0x5f: {  	_ =	shalt  }
0x60: {  	_ =	shalt  }
0x61: {  	_ =	shalt  }
0x62: {  	_ =	shalt  }
0x63: {  	_ =	shalt  }
0x64: {  	_ =	shalt  }
0x65: {  	_ =	shalt  }
0x66: {  	_ =	shalt  }
0x67: {  	_ =	shalt  }
0x68: {  	_ =	shalt  }
0x69: {  	_ =	shalt  }
0x6a: {  	_ =	shalt  }
0x6b: {  	_ =	shalt  }
0x6c: {  	_ =	shalt  }
0x6d: {  	_ =	shalt  }
0x6e: {  	_ =	shalt  }
0x6f: {  	_ =	shalt  }
0x70: {  	_ =	shalt  }
0x71: {  	_ =	shalt  }
0x72: {  	_ =	shalt  }
0x73: {  	_ =	shalt  }
0x74: {  	_ =	shalt  }
0x75: {  	_ =	shalt  }
0x76: {  	_ =	shalt  }
0x77: {  	_ =	shalt  }
0x78: {  	_ =	shalt  }
0x79: {  	_ =	shalt  }
0x7a: {  	_ =	shalt  }
0x7b: {  	_ =	shalt  }
0x7c: {  	_ =	shalt  }
0x7d: {  	_ =	shalt  }
0x7e: {  	_ =	shalt  }
0x7f: {  	_ =	shalt  }
0x80: {  	_ =	shalt  }
0x81: {  	_ =	shalt  }
0x82: {  	_ =	shalt  }
0x83: {  	_ =	shalt  }
0x84: {  	_ =	shalt  }
0x85: {  	_ =	shalt  }
0x86: {  	_ =	shalt  }
0x87: {  	_ =	shalt  }
.Lfunc_end0:
.L_simem_size_0:
called_computation_lowered:
.L_overlay_start_0:
0x88: {  	s2 =	sld [smem:$0x3FD9]  }
0x89: {  	s3 =	sld [smem:$0x3FFE];
	_ =	sdelay $0x1  }
0x8a: {  	s1 =	srdreg.scid  }
0x8b: {  	s0 =	sand.u32 $0x1, s1  }
0x8c: {  	s16 =	sshll.u32 s0, $0xA;
	s2 =	sadd.s32 s3, s2  }
0x8d: {  	s2 =	sadd.s32 s2, s16  }
0x8e: {  	[smem:$0x3FC3] =	sst s2  }
0x8f: {  	_ = 	snop  }
0x90: {  	(tm) =	ssettm $0x1  }
0x91: {  	s17 =	sld [smem:$0x3FFB];
	_ =	sdelay $0x3  }
0x92: {  	_ =	strace s17  }
0x93: {  	s2 =	sld [smem:$0x3FFC];
	_ =	sdelay $0x3  }
0x94: {  	_ =	strace s2  }
0x95: {  	s2 =	sld [smem:$0x3FFD];
	_ =	sdelay $0x3  }
0x96: {  	_ =	strace s2  }
0x97: {  	_ =	strace $0x8FFFFFFF  }
0x98: {  	s18 =	sld [smem:$0x3FDB];
	_ =	sdelay $0x1  }
0x99: {  	s19 =	simm.s32 $_scs_section_size  }
0x9a: {  	s4 =	simm.s32 $_size__tile_overlayer_lowered;
	s5 =	simm.s32 $_tile_overlayer_lowered  }
0x9b: {  	s22 =	simm.s32 $0x1BFF;
	s21 =	sshll.u32 s5, $0x1;
	s2 =	sadd.s32 s19, s18  }
0x9c: {  	s6 =	simm.s32 $0x0;
	s20 =	sshll.u32 s4, $0x1;
	s4 =	sadd.s32 s21, s2  }
0x9d: {  	[timem:s6], [sflag:s22] =	dma.local [hbm:s4], s20  }
0x9e: {  	_ =	swait.ge [sflag:s22], s20  }
0x9f: {  	s3 =	ssub.s32 $0x0, s20;
	[sflag:s22] =	ssyncset.done $0x0  }
0xa0: {  	[sflag:s22] =	ssyncadd.s32 s3;
	_ =	sdelay $0x1  }
0xa1: {  	s23 =	simm.s32 $0x1B8B  }
0xa2: {  	_ =	swait.ge [sflag:s23], $0x1  }
0xa3: {  	[sflag:s23] =	ssyncset.done $0x0  }
0xa4: {  	s25 =	simm.s32 $0x1B8E;
	s24 =	sld [smem:$0x3FFE];
	[sflag:s23] =	ssyncadd.s32 $0xFFFFFFFF  }
0xa5: {  	s26 =	simm.s32 $execute0_lowered;
	[smem:$0x3FD2] =	sst s25  }
0xa6: {  	s4 =	sshll.u32 s26, $0x1;
	_ =	strace $0x80000046;
	[dreg:$0x1] =	wrdreg $0xFFFFFFFF  }
0xa7: {  	s28 =	simm.s32 $_size_execute0_lowered;
	s2 =	sadd.s32 s2, s4;
	[dreg:$0x0] =	wrdreg $0x0  }
0xa8: {  	s4 =	sshll.u32 s28, $0x1;
	[dreg:$0x2] =	wrdreg s2  }
0xa9: {  	[dreg:$0x3] =	wrdreg s4  }
0xaa: {  	[dreg:$0x4] =	wrdreg $0xC0  }
0xab: {  	_ =	task [dreg:s6], $0x5FFFF  }
0xac: {  	[dreg:$0x1] =	wrdreg $0xFFFFFFFF  }
0xad: {  	[dreg:$0x0] =	wrdreg $0x60  }
0xae: {  	[dreg:$0x2] =	wrdreg s24  }
0xaf: {  	[dreg:$0x3] =	wrdreg $0x9  }
0xb0: {  	_ =	task.clear_ibuf [dreg:s6], $0x4FFFF;
	_ =	strace $0x90000046  }
0xb1: {  	s29 =	simm.s32 $0x9;
	_ =	strace $0x80000048  }
0xb2: {  	_ =	swait.ge [sflag:s29], $0x1  }
0xb3: {  	[sflag:s29] =	ssyncadd.s32 $0xFFFFFFFF  }
0xb4: {  	_ =	strace $0x90000048  }
0xb5: {  	_ =	sfence  }
0xb6: {  	s30 =	sld [smem:$0x0];
	_ =	sdelay $0x2  }
0xb7: {  	s31 =	sshll.u32 s1, $0xD;
	s1 =	sshrl.u32 s1, $0x2  }
0xb8: {  	s3 =	sand.u32 $0x4000, s31;
	s1 =	sadd.s32 s1, s30  }
0xb9: {  	s0 =	sor.u32 s3, s0;
	s1 =	sshll.u32 s1, $0x11  }
0xba: {  	s0 =	sor.u32 s1, s0  }
0xbb: {  	s0 =	sadd.s32 $0x8F2B, s0  }
0xbc: {  	[sflag:s0] =	ssyncadd.remote.s32 $0x1  }
0xbd: {  	_ =	sfence.sel $0xFFFF  }
0xbe: {  	[dreg:$0x0] =	wrdreg $0xFFFFFFFF;
	(pc) =	sbr.abs _section_cstart, $3  }
0xbf: {  	[dreg:$0x1] =	wrdreg $0xFFFFFFFF  }
0xc0: {  	_ =	task.clear_ibuf [dreg:s6], $0x2FFFF;
	_ =	strace $0x9FFFFFFF  }
0xc1: {  	(tm) =	ssettm $0x7FFFFFFF  }
tec
execute0_lowered:
.L_overlay_start_1:
0x0: {  	(tag) =	ssettag $0x1  }
0x1: {  	s0 =	srdreg.scid  }
0x2: {  	s2 =	stileid.u32;
	s1 =	rddreg [dreg:$0x0];
	s10 =	simm.s32 $0x2  }
0x3: {  	s11 =	simm.s32 $0x200;
	s12 =	simm.s32 $0x400;
	s13 =	simm.s32 $0x80  }
0x4: {  	s21 =	simm.s32 $0x9600;
	s22 =	simm.s32 $0x100;
	s23 =	simm.s32 $0x2600  }
0x5: {  	s24 =	simm.s32 $0x300;
	s25 =	simm.s32 $0x6600;
	s28 =	simm.s32 $0xA600  }
0x6: {  	s29 =	simm.s32 $0x180;
	s30 =	simm.s32 $0x3600;
	s31 =	simm.s32 $0x380  }
0x7: {  	s14 =	simm.s32 $0xB600;
	s15 =	simm.s32 $0x1;
	s16 =	simm.s32 $0xC600  }
0x8: {  	s0 =	sand.u32 $0x1, s0;
	s3 =	sshll.u32 s2, $0x1;
	s2 =	simm.s32 $0x0  }
0x9: {  	s17 =	simm.s32 $0x0;
	s4 =	sor.u32 s0, s3;
	[smem:$0x7FF] =	sst s2  }
0xa: {  	s0 =	ssub.s32 $0x2, s0;
	s3 =	sshll.u32 s4, $0x6;
	_ =	strace $0x80000047  }
0xb: {  	s5 =	sshll.u32 s4, $0xA;
	s4 =	sadd.s32 $0x3E2000, s1;
	s26 =	sshrl.u32 s0, $0x1  }
0xc: {  	s7 =	sadd.s32 s3, s1;
	s3 =	sadd.s32 $0x2000, s1;
	s1 =	sadd.s32 s5, s1  }
0xd: {  	s0 =	ssub.s32 s0, s26;
	s26 =	simm.s32 $0x500;
	s5 =	sadd.s32 $0x800, s7  }
0xe: {  	s6 =	sadd.s32 $0x1000, s7;
	s7 =	sadd.s32 $0x1800, s7;
	s8 =	sadd.s32 $0x7C2000, s1  }
0xf: {  	s9 =	smax.u32 s0, $0x1;
	s1 =	simm.s32 $0x7600;
	s0 =	simm.s32 $0x580  }
.LBB2_1:
0x10: {  	[tilespmem:s2], [sflag:$0x2] =	stream.linear.gather [hbm4b:s5+s2], $0x200, $0x38;
	[tilespmem:$0xE600] =	vst v63  }
0x11: {  	_ =	swait.ge [sflag:s10], $0x200  }
0x12: {  	[sflag:s10] =	ssyncset.done $0x0  }
0x13: {  	[sflag:s10] =	ssyncadd.s32 $0xFFFFFE00  }
0x14: {  	[tilespmem:s11], [sflag:$0x2] =	stream.linear.gather [hbm4b:s6+s2], $0x200, $0x38;
	[tilespmem:$0xE600] =	vst v63  }
0x15: {  	_ =	swait.ge [sflag:s10], $0x200  }
0x16: {  	[sflag:s10] =	ssyncset.done $0x0  }
0x17: {  	[sflag:s10] =	ssyncadd.s32 $0xFFFFFE00  }
0x18: {  	[tilespmem:s12], [sflag:$0x2] =	stream.linear.gather [hbm4b:s7+s2], $0x200, $0x38;
	[tilespmem:$0xE600] =	vst v63  }
0x19: {  	_ =	swait.ge [sflag:s10], $0x200  }
0x1a: {  	[sflag:s10] =	ssyncset.done $0x0  }
0x1b: {  	s18 =	simm.s32 $0x600;
	[sflag:s10] =	ssyncadd.s32 $0xFFFFFE00  }
0x1c: {  	[tilespmem:s18], [sflag:$0x1] =	stream.indirect.gather [hbm4b:s3+s13], $0x20, s2, s13, $0xb8;
	[tilespmem:$0xE600] =	vst v63  }
0x1d: {  	s19 =	simm.s32 $0x4600  }
0x1e: {  	[tilespmem:s19], [sflag:$0x1] =	stream.indirect.gather [hbm4b:s4+s13], $0x20, s11, s13, $0xb8;
	[tilespmem:$0xE600] =	vst v63  }
0x1f: {  	s20 =	simm.s32 $0x8600  }
0x20: {  	[tilespmem:s20], [sflag:$0x1] =	stream.indirect.gather [hbm4b:s4+s13], $0x20, s12, s13, $0xb8;
	[tilespmem:$0xE600] =	vst v63  }
0x21: {  	s19 =	simm.s32 $0x1600  }
0x22: {  	[tilespmem:s19], [sflag:$0x1] =	stream.indirect.gather [hbm4b:s3+s13], $0x20, s13, s13, $0xb8;
	[tilespmem:$0xE600] =	vst v63  }
0x23: {  	s20 =	simm.s32 $0x280;
	s19 =	simm.s32 $0x5600  }
0x24: {  	[tilespmem:s19], [sflag:$0x1] =	stream.indirect.gather [hbm4b:s4+s13], $0x20, s20, s13, $0xb8;
	[tilespmem:$0xE600] =	vst v63  }
0x25: {  	s19 =	simm.s32 $0x480  }
0x26: {  	[tilespmem:s21], [sflag:$0x1] =	stream.indirect.gather [hbm4b:s4+s13], $0x20, s19, s13, $0xb8;
	[tilespmem:$0xE600] =	vst v63  }
0x27: {  	_ = 	snop  }
0x28: {  	[tilespmem:s23], [sflag:$0x1] =	stream.indirect.gather [hbm4b:s3+s13], $0x20, s22, s13, $0xb8;
	[tilespmem:$0xE600] =	vst v63  }
0x29: {  	_ = 	snop  }
0x2a: {  	[tilespmem:s25], [sflag:$0x1] =	stream.indirect.gather [hbm4b:s4+s13], $0x20, s24, s13, $0xb8;
	[tilespmem:$0xE600] =	vst v63  }
0x2b: {  	_ = 	snop  }
0x2c: {  	[tilespmem:s28], [sflag:$0x1] =	stream.indirect.gather [hbm4b:s4+s13], $0x20, s26, s13, $0xb8;
	[tilespmem:$0xE600] =	vst v63  }
0x2d: {  	_ = 	snop  }
0x2e: {  	[tilespmem:s30], [sflag:$0x1] =	stream.indirect.gather [hbm4b:s3+s13], $0x20, s29, s13, $0xb8;
	[tilespmem:$0xE600] =	vst v63  }
0x2f: {  	_ = 	snop  }
0x30: {  	[tilespmem:s1], [sflag:$0x1] =	stream.indirect.gather [hbm4b:s4+s13], $0x20, s31, s13, $0xb8;
	[tilespmem:$0xE600] =	vst v63  }
0x31: {  	_ = 	snop  }
0x32: {  	[tilespmem:s14], [sflag:$0x1] =	stream.indirect.gather [hbm4b:s4+s13], $0x20, s0, s13, $0xb8;
	[tilespmem:$0xE600] =	vst v63  }
0x33: {  	_ =	swait.ge [sflag:s15], $0x1000  }
0x34: {  	[sflag:s15] =	ssyncset.done $0x0  }
0x35: {  	[sflag:s15] =	ssyncadd.s32 $0xFFFFF000  }
0x36: {  	_ =	swait.ge [sflag:s15], $0x1000  }
0x37: {  	[sflag:s15] =	ssyncset.done $0x0  }
0x38: {  	[sflag:s15] =	ssyncadd.s32 $0xFFFFF000  }
0x39: {  	_ =	swait.ge [sflag:s15], $0x1000  }
0x3a: {  	[sflag:s15] =	ssyncset.done $0x0  }
0x3b: {  	[sflag:s15] =	ssyncadd.s32 $0xFFFFF000  }
0x3c: {  	_ =	swait.ge [sflag:s15], $0x1000  }
0x3d: {  	[sflag:s15] =	ssyncset.done $0x0  }
0x3e: {  	[sflag:s15] =	ssyncadd.s32 $0xFFFFF000  }
0x3f: {  	_ =	swait.ge [sflag:s15], $0x1000  }
0x40: {  	[sflag:s15] =	ssyncset.done $0x0  }
0x41: {  	[sflag:s15] =	ssyncadd.s32 $0xFFFFF000  }
0x42: {  	_ =	swait.ge [sflag:s15], $0x1000  }
0x43: {  	[sflag:s15] =	ssyncset.done $0x0  }
0x44: {  	[sflag:s15] =	ssyncadd.s32 $0xFFFFF000  }
0x45: {  	_ =	swait.ge [sflag:s15], $0x1000  }
0x46: {  	[sflag:s15] =	ssyncset.done $0x0  }
0x47: {  	[sflag:s15] =	ssyncadd.s32 $0xFFFFF000  }
0x48: {  	_ =	swait.ge [sflag:s15], $0x1000  }
0x49: {  	[sflag:s15] =	ssyncset.done $0x0  }
0x4a: {  	[sflag:s15] =	ssyncadd.s32 $0xFFFFF000  }
0x4b: {  	_ =	swait.ge [sflag:s15], $0x1000  }
0x4c: {  	[sflag:s15] =	ssyncset.done $0x0  }
0x4d: {  	[sflag:s15] =	ssyncadd.s32 $0xFFFFF000  }
0x4e: {  	_ =	swait.ge [sflag:s15], $0x1000  }
0x4f: {  	[sflag:s15] =	ssyncset.done $0x0  }
0x50: {  	[sflag:s15] =	ssyncadd.s32 $0xFFFFF000  }
0x51: {  	_ =	swait.ge [sflag:s15], $0x1000  }
0x52: {  	[sflag:s15] =	ssyncset.done $0x0  }
0x53: {  	[sflag:s15] =	ssyncadd.s32 $0xFFFFF000  }
0x54: {  	_ =	swait.ge [sflag:s15], $0x1000  }
0x55: {  	[sflag:s15] =	ssyncset.done $0x0  }
0x56: {  	s20 =	simm.s32 $0x0;
	[sflag:s15] =	ssyncadd.s32 $0xFFFFF000  }
0x57: {  	v0 =	vld [tilespmem:s20+$0x4600]  }
0x58: {  	v1 =	vld [tilespmem:s20+$0x8600]  }
0x59: {  	v2 =	vld [tilespmem:s20+$0x4610]  }
0x5a: {  	v3 =	vld [tilespmem:s20+$0x8610]  }
0x5b: {  	v4 =	vld [tilespmem:s20+$0x600]  }
0x5c: {  	v5 =	vld [tilespmem:s20+$0x610];
	_ =	sdelay $0x2  }
0x5d: {  	v0 =	vsub.f32 v0, v1;
	v1 =	vsub.f32 v2, v3;
	_ =	sdelay $0x1  }
0x5e: {  	v0 =	vmul.f32 v0, v4;
	v1 =	vmul.f32 v1, v5;
	_ =	sdelay $0x1  }
0x5f: {  	v0 =	vadd.f32 v1, v0;
	_ =	sdelay $0x1  }
0x60: {  	s20 =	simm.s32 $0x20;
	[tilespmem:s16+$0x0] =	vst v0  }
0x61: {  	v0 =	vld [tilespmem:s20+$0x4600]  }
0x62: {  	v1 =	vld [tilespmem:s20+$0x8600]  }
0x63: {  	s18 =	simm.s32 $0xC600;
	s19 =	simm.s32 $0x100;
	v2 =	vld [tilespmem:s20+$0x4610]  }
.LBB2_2:
0x64: {  	p0 =	sne.s32 s19, $0xFF80;
	v3 =	vld [tilespmem:s20+$0x8610]  }
0x65: {  	v4 =	vld [tilespmem:s20+$0x600]  }
0x66: {  	v5 =	vld [tilespmem:s20+$0x610];
	_ =	sdelay $0x2  }
0x67: {  	v0 =	vsub.f32 v0, v1;
	v1 =	vsub.f32 v2, v3;
	_ =	sdelay $0x1  }
0x68: {  	v0 =	vmul.f32 v0, v4;
	v1 =	vmul.f32 v1, v5;
	_ =	sdelay $0x1  }
0x69: {  	v0 =	vadd.f32 v1, v0  }
.Ltmp0:
0x6a: {  	s18 =	sadd.s32 $0x10, s18;
	(pc) =	sbr.rel @p0 .LBB2_2-.Ltmp0, $4  }
0x6b: {  	s20 =	sshra.s32 s19, $0x2;
	[tilespmem:s18+$0x0] =	vst v0  }
0x6c: {  	v0 =	vld [tilespmem:s20+$0x4600]  }
0x6d: {  	v1 =	vld [tilespmem:s20+$0x8600]  }
0x6e: {  	s19 =	sadd.s32 $0x80, s19;
	v2 =	vld [tilespmem:s20+$0x4610]  }
0x6f: {  	v3 =	vld [tilespmem:s20+$0x8610]  }
0x70: {  	v4 =	vld [tilespmem:s20+$0x600]  }
0x71: {  	v5 =	vld [tilespmem:s20+$0x610];
	_ =	sdelay $0x2  }
0x72: {  	v0 =	vsub.f32 v0, v1;
	v63 =	vsub.f32 v2, v3;
	_ =	sdelay $0x1  }
0x73: {  	v0 =	vmul.f32 v0, v4;
	v1 =	vmul.f32 v63, v5;
	_ =	sdelay $0x1  }
0x74: {  	s17 =	sadd.s32 $0x1, s17;
	v0 =	vadd.f32 v1, v0  }
0x75: {  	s18 =	sadd.s32 $0x10, s18;
	p0 =	sne.s32 s17, s9  }
.Ltmp1:
0x76: {  	[tilespmem:s18+$0x0] =	vst v0;
	(pc) =	sbr.rel @p0 .LBB2_1-.Ltmp1, $4  }
0x77: {  	[hbm4b:s8+s2] =	stream.linear.scatter [tilespmem:s16], [sflag:$0x2], $0x2000, $0x38;
	[tilespmem:$0xE600] =	vst v63  }
0x78: {  	_ =	swait.ge [sflag:s10], $0x2000  }
0x79: {  	[sflag:s10] =	ssyncset.done $0x0  }
0x7a: {  	[sflag:s10] =	ssyncadd.s32 $0xFFFFE000  }
0x7b: {  	_ =	sfence.sel $0x180000  }
0x7c: {  	[bflag:$0x0] =	sbarrier.arrive $0xFFFF  }
0x7d: {  	_ =	strace $0x90000047  }
0x7e: {  	s0 =	stileid.u32;
	[bflag:$0x2] =	sbarrier.arrive $0xFFFF  }
0x7f: {  	p0 =	sne.s32 s0, $0x0;
	s0 =	rddreg [dreg:$0x1]  }
0x80: {  	s0 =	sadd.s32 @!p0 $0x100000, s0  }
0x81: {  	[sflag:s0] =	ssyncadd.tile.s32 @!p0 $0x1;
	_ =	shalt  }
.Lfunc_end2:
_tile_overlayer_lowered:
.L_overlay_start_2:
0x82: {  	(tag) =	ssettag $0x2  }
0x83: {  	s0 =	rddreg [dreg:$0x0];
	s2 =	stileid.u32  }
0x84: {  	s1 =	rddreg [dreg:$0x1];
	p0 =	sne.s32 s2, $0x0  }
0x85: {  	s3 =	rddreg [dreg:$0x2];
	[bflag:$0x3] =	sbarrier.arrive $0xFFFF;
	s2 =	simm.s32 @!p0 $0x1C02  }
0x86: {  	[timem:s3], [sflag:s2] =	dma.local @!p0 [hbm:s0], s1  }
0x87: {  	s0 =	simm.s32 @!p0 $0x2  }
0x88: {  	_ =	swait.ge @!p0 [sflag:s0], s1  }
0x89: {  	s1 =	ssub.s32 @!p0 $0x0, s1;
	[sflag:s0] =	ssyncset.done @!p0 $0x0  }
0x8a: {  	[sflag:s0] =	ssyncadd.s32 @!p0 s1  }
0x8b: {  	[bflag:$0x3] =	sbarrier.arrive $0xFFFF  }
0x8c: {  	_ =	shalt  }

</sc_bundles>
